<compile_context>
chip_gen: v7x
topology: tpu7x:2x2x1
jax: 0.10.2.dev20260603
libtpu: 0.0.44.dev20260713+nightly
codegen_flags: <defaults>
</compile_context>

<pallas_src>
import functools

import jax
import jax.numpy as jnp
from jax import lax
from jax.experimental import pallas as pl
from jax.experimental.pallas import tpu as pltpu
from jax.experimental.pallas import tpu_sc as plsc

N_NODES = 10000
E = 160000
IN_DIM = 256
HIDDEN = 512
OUT_DIM = 256
NUM_GRAPHS = 64

NUM_WORKERS = 32
CHUNK = E // NUM_WORKERS
CHUNK_PAD = 5008

TILE = 6400
NB = E // TILE
LANES = 128


_UNROLL = 8
_FULL_VECS = CHUNK // 16
_TAIL = _FULL_VECS * 16


def _sc_gather_body(src_hbm, batch_hbm, out_hbm, batch_v, idx_v, out_v,
                    sem_a, sem_b):
    wid = lax.axis_index("s") * 2 + lax.axis_index("c")
    base = wid * CHUNK
    cp_a = pltpu.async_copy(batch_hbm, batch_v, sem_a)
    cp_b = pltpu.async_copy(src_hbm.at[pl.ds(base, CHUNK)],
                            idx_v.at[pl.ds(0, CHUNK)], sem_b)
    cp_a.wait()
    cp_b.wait()

    def body(i, carry):
        for u in range(_UNROLL):
            off = (i * _UNROLL + u) * 16
            idx = idx_v[pl.ds(off, 16)]
            out_v[pl.ds(off, 16)] = plsc.load_gather(batch_v, [idx])
        return carry

    lax.fori_loop(0, _FULL_VECS // _UNROLL, body, 0)
    tail_idx = jnp.clip(idx_v[pl.ds(_TAIL, 16)], 0, N_NODES - 1)
    out_v[pl.ds(_TAIL, 16)] = plsc.load_gather(batch_v, [tail_idx])
    pltpu.sync_copy(out_v.at[pl.ds(0, CHUNK)], out_hbm.at[pl.ds(base, CHUNK)])


@functools.cache
def _sc_gather():
    return pl.kernel(
        _sc_gather_body,
        mesh=plsc.VectorSubcoreMesh(core_axis_name="c", subcore_axis_name="s"),
        out_type=jax.ShapeDtypeStruct((E,), jnp.int32),
        scratch_types=[
            pltpu.VMEM((N_NODES,), jnp.int32),
            pltpu.VMEM((CHUNK_PAD,), jnp.int32),
            pltpu.VMEM((CHUNK_PAD,), jnp.int32),
            pltpu.SemaphoreType.DMA,
            pltpu.SemaphoreType.DMA,
        ],
        compiler_params=pltpu.CompilerParams(needs_layout_passes=False),
    )


def _tc_kernel(eb_ref, attr_ref, w1_ref, b1_ref, w2_ref, b2_ref, out_ref,
               acc_ref, cnt_ref):
    i = pl.program_id(0)

    @pl.when(i == 0)
    def _init():
        acc_ref[...] = jnp.zeros_like(acc_ref)
        cnt_ref[...] = jnp.zeros_like(cnt_ref)

    eb = eb_ref[0, 0, :]
    oh = (eb[None, :] == lax.broadcasted_iota(jnp.int32, (NUM_GRAPHS, TILE), 0)
          ).astype(jnp.float32)
    acc_ref[...] += jnp.dot(oh, attr_ref[...], preferred_element_type=jnp.float32)
    c = oh[:, 0:LANES]
    for k in range(1, TILE // LANES):
        c = c + oh[:, k * LANES:(k + 1) * LANES]
    cnt_ref[...] += c

    @pl.when(i == NB - 1)
    def _finish():
        counts = jnp.sum(cnt_ref[...], axis=1, keepdims=True)
        gf = acc_ref[...] / jnp.maximum(counts, 1.0)
        h = jnp.maximum(
            jnp.dot(gf, w1_ref[...], preferred_element_type=jnp.float32)
            + b1_ref[...], 0.0)
        out_ref[...] = (jnp.dot(h, w2_ref[...], preferred_element_type=jnp.float32)
                        + b2_ref[...])


def _tc_pool_mlp(eb3, edge_attr, W1, b1, W2, b2):
    return pl.pallas_call(
        _tc_kernel,
        grid=(NB,),
        in_specs=[
            pl.BlockSpec((1, 1, TILE), lambda i: (i, 0, 0)),
            pl.BlockSpec((TILE, IN_DIM), lambda i: (i, 0)),
            pl.BlockSpec((IN_DIM, HIDDEN), lambda i: (0, 0)),
            pl.BlockSpec((1, HIDDEN), lambda i: (0, 0)),
            pl.BlockSpec((HIDDEN, OUT_DIM), lambda i: (0, 0)),
            pl.BlockSpec((1, OUT_DIM), lambda i: (0, 0)),
        ],
        out_specs=pl.BlockSpec((NUM_GRAPHS, OUT_DIM), lambda i: (0, 0)),
        out_shape=jax.ShapeDtypeStruct((NUM_GRAPHS, OUT_DIM), jnp.float32),
        scratch_shapes=[
            pltpu.VMEM((NUM_GRAPHS, IN_DIM), jnp.float32),
            pltpu.VMEM((NUM_GRAPHS, LANES), jnp.float32),
        ],
        compiler_params=pltpu.CompilerParams(
            dimension_semantics=("arbitrary",)),
    )(eb3, edge_attr, W1, b1, W2, b2)


def kernel(edge_index, edge_attr, batch, W1, b1, W2, b2):
    edge_batch = _sc_gather()(edge_index.reshape(2 * E), batch)
    eb3 = edge_batch.reshape(NB, 1, TILE)
    return _tc_pool_mlp(eb3, edge_attr, W1, b1.reshape(1, HIDDEN),
                        W2, b2.reshape(1, OUT_DIM))

# --- scband reference (transcript-rebuilt; emitter-appended) ---
"""Pipeline reference for scband-mlpedge-readout-10582799417474 (READ-ONLY COPY).

The authoritative reference and input builder live on the scoring server;
editing this copy changes nothing except your own understanding.
"""

import jax, jax.numpy as jnp
import numpy as np

N_NODES = 10000
E = 160000
IN_DIM = 256
HIDDEN = 512
OUT_DIM = 256
NUM_GRAPHS = 64


def setup_inputs(seed: int = 0) -> dict:
    key = jax.random.key(seed)
    k1, k2, k3, k4, k5, k6, k7 = jax.random.split(key, 7)
    edge_index = jax.random.randint(k1, (2, E), 0, N_NODES, dtype=jnp.int32)
    edge_attr = jax.random.normal(k2, (E, IN_DIM), dtype=jnp.float32)
    batch = jnp.sort(jax.random.randint(k3, (N_NODES,), 0, NUM_GRAPHS, dtype=jnp.int32))
    W1 = jax.random.normal(k4, (IN_DIM, HIDDEN), dtype=jnp.float32) / np.sqrt(IN_DIM)
    b1 = jnp.zeros((HIDDEN,), dtype=jnp.float32)
    W2 = jax.random.normal(k5, (HIDDEN, OUT_DIM), dtype=jnp.float32) / np.sqrt(HIDDEN)
    b2 = jnp.zeros((OUT_DIM,), dtype=jnp.float32)
    return {"edge_index": edge_index, "edge_attr": edge_attr, "batch": batch,
            "W1": W1, "b1": b1, "W2": W2, "b2": b2}


def reference(edge_index, edge_attr, batch, W1, b1, W2, b2):
    # BasicEdgePool: scatter-mean of edge_attr into per-graph buckets
    edge_batch = jnp.take(batch, edge_index[0], axis=0)
    sums = jax.ops.segment_sum(edge_attr, edge_batch, num_segments=NUM_GRAPHS)
    counts = jax.ops.segment_sum(jnp.ones((E,), dtype=edge_attr.dtype), edge_batch,
                                 num_segments=NUM_GRAPHS)
    graph_feat = sums / jnp.maximum(counts, 1.0)[:, None]
    # MLP: Linear -> ReLU -> Linear (num_layers=2)
    h = jax.nn.relu(graph_feat @ W1 + b1)
    out = h @ W2 + b2
    return out

if __name__ == "__main__":
    import jax
    _d = setup_inputs()
    print(jax.jit(kernel)(*tuple(_d.values())))

</pallas_src>

<mosaic_0001>
#map = affine_map<(d0, d1) -> (0)>
module attributes {stable_mosaic.version = 14 : i64} {
  func.func @_sc_gather_body(%arg0: i32, %arg1: i32, %arg2: memref<320000xi32, #tpu.memory_space<hbm>>, %arg3: memref<10000xi32, #tpu.memory_space<hbm>>, %arg4: memref<160000xi32, #tpu.memory_space<hbm>>, %arg5: memref<10000xi32, #tpu.memory_space<vmem>>, %arg6: memref<5008xi32, #tpu.memory_space<vmem>>, %arg7: memref<5008xi32, #tpu.memory_space<vmem>>, %arg8: memref<!tpu.dma_semaphore, #tpu.memory_space<semaphore_mem>>, %arg9: memref<!tpu.dma_semaphore, #tpu.memory_space<semaphore_mem>>) attributes {dimension_semantics = [#tpu.dimension_semantics<core_parallel>, #tpu.dimension_semantics<subcore_parallel>], iteration_bounds = array<i64: 2, 16>, scalar_prefetch = 0 : i64, scratch_operands = 5 : i64, tpu.core_type = #tpu.core_type<sc_vector_subcore>, window_params = [{transform_indices = #map}, {transform_indices = #map}, {transform_indices = #map}]} {
    %mul3A = arith.constant 2 : i32
    %mul3A_0 = arith.muli %arg1, %mul3A : i32
    %add3A = arith.addi %mul3A_0, %arg0 : i32
    %mul3A_1 = arith.constant 5000 : i32
    %mul3A_2 = arith.muli %add3A, %mul3A_1 : i32
    tpu.enqueue_dma source(%arg3 : memref<10000xi32, #tpu.memory_space<hbm>>) target(%arg5 : memref<10000xi32, #tpu.memory_space<vmem>>) target_semaphore(%arg8 : memref<!tpu.dma_semaphore, #tpu.memory_space<semaphore_mem>>)
    %dma_start3A = arith.constant 0 : i32
    %dma_start3A_3 = tpu.memref_slice %arg6[%dma_start3A] : memref<5008xi32, #tpu.memory_space<vmem>> -> memref<5000xi32, #tpu.memory_space<vmem>>
    %dma_start3A_4 = tpu.memref_slice %arg2[%mul3A_2] : memref<320000xi32, #tpu.memory_space<hbm>> -> memref<5000xi32, #tpu.memory_space<hbm>>
    %dma_start3A_5 = arith.constant 0 : i32
    %dma_start3A_6 = tpu.memref_slice %arg6[%dma_start3A_5] : memref<5008xi32, #tpu.memory_space<vmem>> -> memref<5000xi32, #tpu.memory_space<vmem>>
    %dma_start3A_7 = tpu.memref_slice %arg2[%mul3A_2] : memref<320000xi32, #tpu.memory_space<hbm>> -> memref<5000xi32, #tpu.memory_space<hbm>>
    tpu.enqueue_dma source(%dma_start3A_7 : memref<5000xi32, #tpu.memory_space<hbm>>) target(%dma_start3A_6 : memref<5000xi32, #tpu.memory_space<vmem>>) target_semaphore(%arg9 : memref<!tpu.dma_semaphore, #tpu.memory_space<semaphore_mem>>)
    tpu.wait_dma2 semaphore(%arg8 : memref<!tpu.dma_semaphore, #tpu.memory_space<semaphore_mem>>) src(%arg3 : memref<10000xi32, #tpu.memory_space<hbm>>) dst(%arg5 : memref<10000xi32, #tpu.memory_space<vmem>>)
    %dma_wait3A = arith.constant 0 : i32
    %dma_wait3A_8 = tpu.memref_slice %arg6[%dma_wait3A] : memref<5008xi32, #tpu.memory_space<vmem>> -> memref<5000xi32, #tpu.memory_space<vmem>>
    %dma_wait3A_9 = tpu.memref_slice %arg2[%mul3A_2] : memref<320000xi32, #tpu.memory_space<hbm>> -> memref<5000xi32, #tpu.memory_space<hbm>>
    %dma_wait3A_10 = arith.constant 0 : i32
    %dma_wait3A_11 = tpu.memref_slice %arg6[%dma_wait3A_10] : memref<5008xi32, #tpu.memory_space<vmem>> -> memref<5000xi32, #tpu.memory_space<vmem>>
    %dma_wait3A_12 = tpu.memref_slice %arg2[%mul3A_2] : memref<320000xi32, #tpu.memory_space<hbm>> -> memref<5000xi32, #tpu.memory_space<hbm>>
    tpu.wait_dma2 semaphore(%arg9 : memref<!tpu.dma_semaphore, #tpu.memory_space<semaphore_mem>>) src(%dma_wait3A_12 : memref<5000xi32, #tpu.memory_space<hbm>>) dst(%dma_wait3A_11 : memref<5000xi32, #tpu.memory_space<vmem>>)
    %scan3A = arith.constant 0 : i32
    %scan3A_13 = arith.constant 0 : i32
    %scan3A_14 = arith.constant 39 : i32
    %scan3A_15 = arith.addi %scan3A_13, %scan3A_14 : i32
    %scan3A_16 = arith.constant 1 : i32
    scf.for %scan3A_23 = %scan3A_13 to %scan3A_15 step %scan3A_16  : i32 {
      %mul3A_24 = arith.constant 8 : i32
      %mul3A_25 = arith.muli %scan3A_23, %mul3A_24 : i32
      %add3A_26 = arith.constant 0 : i32
      %add3A_27 = arith.addi %mul3A_25, %add3A_26 : i32
      %mul3A_28 = arith.constant 16 : i32
      %mul3A_29 = arith.muli %add3A_27, %mul3A_28 : i32
      %get3A_30 = arith.index_cast %mul3A_29 : i32 to index
      %get3A_31 = tpu.vector_load %arg6[%get3A_30] {strides = array<i32>} : memref<5008xi32, #tpu.memory_space<vmem>>, vector<16xi32>,
      %gather3A_32 = tpu.vector_load_idx %arg5[%get3A_31] : memref<10000xi32, #tpu.memory_space<vmem>>[vector<16xi32>], vector<16xi32>,
      %swap3A_33 = arith.index_cast %mul3A_29 : i32 to index
      %swap3A_34 = tpu.vector_load %arg7[%swap3A_33] {strides = array<i32>} : memref<5008xi32, #tpu.memory_space<vmem>>, vector<16xi32>,
      tpu.vector_store %arg7[%swap3A_33], %gather3A_32 {strides = array<i32>} : memref<5008xi32, #tpu.memory_space<vmem>>, vector<16xi32>,
      %mul3A_35 = arith.constant 8 : i32
      %mul3A_36 = arith.muli %scan3A_23, %mul3A_35 : i32
      %add3A_37 = arith.constant 1 : i32
      %add3A_38 = arith.addi %mul3A_36, %add3A_37 : i32
      %mul3A_39 = arith.constant 16 : i32
      %mul3A_40 = arith.muli %add3A_38, %mul3A_39 : i32
      %get3A_41 = arith.index_cast %mul3A_40 : i32 to index
      %get3A_42 = tpu.vector_load %arg6[%get3A_41] {strides = array<i32>} : memref<5008xi32, #tpu.memory_space<vmem>>, vector<16xi32>,
      %gather3A_43 = tpu.vector_load_idx %arg5[%get3A_42] : memref<10000xi32, #tpu.memory_space<vmem>>[vector<16xi32>], vector<16xi32>,
      %swap3A_44 = arith.index_cast %mul3A_40 : i32 to index
      %swap3A_45 = tpu.vector_load %arg7[%swap3A_44] {strides = array<i32>} : memref<5008xi32, #tpu.memory_space<vmem>>, vector<16xi32>,
      tpu.vector_store %arg7[%swap3A_44], %gather3A_43 {strides = array<i32>} : memref<5008xi32, #tpu.memory_space<vmem>>, vector<16xi32>,
      %mul3A_46 = arith.constant 8 : i32
      %mul3A_47 = arith.muli %scan3A_23, %mul3A_46 : i32
      %add3A_48 = arith.constant 2 : i32
      %add3A_49 = arith.addi %mul3A_47, %add3A_48 : i32
      %mul3A_50 = arith.constant 16 : i32
      %mul3A_51 = arith.muli %add3A_49, %mul3A_50 : i32
      %get3A_52 = arith.index_cast %mul3A_51 : i32 to index
      %get3A_53 = tpu.vector_load %arg6[%get3A_52] {strides = array<i32>} : memref<5008xi32, #tpu.memory_space<vmem>>, vector<16xi32>,
      %gather3A_54 = tpu.vector_load_idx %arg5[%get3A_53] : memref<10000xi32, #tpu.memory_space<vmem>>[vector<16xi32>], vector<16xi32>,
      %swap3A_55 = arith.index_cast %mul3A_51 : i32 to index
      %swap3A_56 = tpu.vector_load %arg7[%swap3A_55] {strides = array<i32>} : memref<5008xi32, #tpu.memory_space<vmem>>, vector<16xi32>,
      tpu.vector_store %arg7[%swap3A_55], %gather3A_54 {strides = array<i32>} : memref<5008xi32, #tpu.memory_space<vmem>>, vector<16xi32>,
      %mul3A_57 = arith.constant 8 : i32
      %mul3A_58 = arith.muli %scan3A_23, %mul3A_57 : i32
      %add3A_59 = arith.constant 3 : i32
      %add3A_60 = arith.addi %mul3A_58, %add3A_59 : i32
      %mul3A_61 = arith.constant 16 : i32
      %mul3A_62 = arith.muli %add3A_60, %mul3A_61 : i32
      %get3A_63 = arith.index_cast %mul3A_62 : i32 to index
      %get3A_64 = tpu.vector_load %arg6[%get3A_63] {strides = array<i32>} : memref<5008xi32, #tpu.memory_space<vmem>>, vector<16xi32>,
      %gather3A_65 = tpu.vector_load_idx %arg5[%get3A_64] : memref<10000xi32, #tpu.memory_space<vmem>>[vector<16xi32>], vector<16xi32>,
      %swap3A_66 = arith.index_cast %mul3A_62 : i32 to index
      %swap3A_67 = tpu.vector_load %arg7[%swap3A_66] {strides = array<i32>} : memref<5008xi32, #tpu.memory_space<vmem>>, vector<16xi32>,
      tpu.vector_store %arg7[%swap3A_66], %gather3A_65 {strides = array<i32>} : memref<5008xi32, #tpu.memory_space<vmem>>, vector<16xi32>,
      %mul3A_68 = arith.constant 8 : i32
      %mul3A_69 = arith.muli %scan3A_23, %mul3A_68 : i32
      %add3A_70 = arith.constant 4 : i32
      %add3A_71 = arith.addi %mul3A_69, %add3A_70 : i32
      %mul3A_72 = arith.constant 16 : i32
      %mul3A_73 = arith.muli %add3A_71, %mul3A_72 : i32
      %get3A_74 = arith.index_cast %mul3A_73 : i32 to index
      %get3A_75 = tpu.vector_load %arg6[%get3A_74] {strides = array<i32>} : memref<5008xi32, #tpu.memory_space<vmem>>, vector<16xi32>,
      %gather3A_76 = tpu.vector_load_idx %arg5[%get3A_75] : memref<10000xi32, #tpu.memory_space<vmem>>[vector<16xi32>], vector<16xi32>,
      %swap3A_77 = arith.index_cast %mul3A_73 : i32 to index
      %swap3A_78 = tpu.vector_load %arg7[%swap3A_77] {strides = array<i32>} : memref<5008xi32, #tpu.memory_space<vmem>>, vector<16xi32>,
      tpu.vector_store %arg7[%swap3A_77], %gather3A_76 {strides = array<i32>} : memref<5008xi32, #tpu.memory_space<vmem>>, vector<16xi32>,
      %mul3A_79 = arith.constant 8 : i32
      %mul3A_80 = arith.muli %scan3A_23, %mul3A_79 : i32
      %add3A_81 = arith.constant 5 : i32
      %add3A_82 = arith.addi %mul3A_80, %add3A_81 : i32
      %mul3A_83 = arith.constant 16 : i32
      %mul3A_84 = arith.muli %add3A_82, %mul3A_83 : i32
      %get3A_85 = arith.index_cast %mul3A_84 : i32 to index
      %get3A_86 = tpu.vector_load %arg6[%get3A_85] {strides = array<i32>} : memref<5008xi32, #tpu.memory_space<vmem>>, vector<16xi32>,
      %gather3A_87 = tpu.vector_load_idx %arg5[%get3A_86] : memref<10000xi32, #tpu.memory_space<vmem>>[vector<16xi32>], vector<16xi32>,
      %swap3A_88 = arith.index_cast %mul3A_84 : i32 to index
      %swap3A_89 = tpu.vector_load %arg7[%swap3A_88] {strides = array<i32>} : memref<5008xi32, #tpu.memory_space<vmem>>, vector<16xi32>,
      tpu.vector_store %arg7[%swap3A_88], %gather3A_87 {strides = array<i32>} : memref<5008xi32, #tpu.memory_space<vmem>>, vector<16xi32>,
      %mul3A_90 = arith.constant 8 : i32
      %mul3A_91 = arith.muli %scan3A_23, %mul3A_90 : i32
      %add3A_92 = arith.constant 6 : i32
      %add3A_93 = arith.addi %mul3A_91, %add3A_92 : i32
      %mul3A_94 = arith.constant 16 : i32
      %mul3A_95 = arith.muli %add3A_93, %mul3A_94 : i32
      %get3A_96 = arith.index_cast %mul3A_95 : i32 to index
      %get3A_97 = tpu.vector_load %arg6[%get3A_96] {strides = array<i32>} : memref<5008xi32, #tpu.memory_space<vmem>>, vector<16xi32>,
      %gather3A_98 = tpu.vector_load_idx %arg5[%get3A_97] : memref<10000xi32, #tpu.memory_space<vmem>>[vector<16xi32>], vector<16xi32>,
      %swap3A_99 = arith.index_cast %mul3A_95 : i32 to index
      %swap3A_100 = tpu.vector_load %arg7[%swap3A_99] {strides = array<i32>} : memref<5008xi32, #tpu.memory_space<vmem>>, vector<16xi32>,
      tpu.vector_store %arg7[%swap3A_99], %gather3A_98 {strides = array<i32>} : memref<5008xi32, #tpu.memory_space<vmem>>, vector<16xi32>,
      %mul3A_101 = arith.constant 8 : i32
      %mul3A_102 = arith.muli %scan3A_23, %mul3A_101 : i32
      %add3A_103 = arith.constant 7 : i32
      %add3A_104 = arith.addi %mul3A_102, %add3A_103 : i32
      %mul3A_105 = arith.constant 16 : i32
      %mul3A_106 = arith.muli %add3A_104, %mul3A_105 : i32
      %get3A_107 = arith.index_cast %mul3A_106 : i32 to index
      %get3A_108 = tpu.vector_load %arg6[%get3A_107] {strides = array<i32>} : memref<5008xi32, #tpu.memory_space<vmem>>, vector<16xi32>,
      %gather3A_109 = tpu.vector_load_idx %arg5[%get3A_108] : memref<10000xi32, #tpu.memory_space<vmem>>[vector<16xi32>], vector<16xi32>,
      %swap3A_110 = arith.index_cast %mul3A_106 : i32 to index
      %swap3A_111 = tpu.vector_load %arg7[%swap3A_110] {strides = array<i32>} : memref<5008xi32, #tpu.memory_space<vmem>>, vector<16xi32>,
      tpu.vector_store %arg7[%swap3A_110], %gather3A_109 {strides = array<i32>} : memref<5008xi32, #tpu.memory_space<vmem>>, vector<16xi32>,
    }
    %scan3A_17 = arith.constant 39 : i32
    %get3A = arith.constant 4992 : index
    %get3A_18 = tpu.vector_load %arg6[%get3A] {strides = array<i32>} : memref<5008xi32, #tpu.memory_space<vmem>>, vector<16xi32>,
    %jit3A = arith.constant 0 : i32
    %jit3A_19 = arith.constant 9999 : i32
    %max3A = vector.broadcast %jit3A : i32 to vector<16xi32>
    %max3A_20 = arith.maxsi %max3A, %get3A_18 : vector<16xi32>
    %min3A = vector.broadcast %jit3A_19 : i32 to vector<16xi32>
    %min3A_21 = arith.minsi %min3A, %max3A_20 : vector<16xi32>
    %gather3A = tpu.vector_load_idx %arg5[%min3A_21] : memref<10000xi32, #tpu.memory_space<vmem>>[vector<16xi32>], vector<16xi32>,
    %swap3A = arith.constant 4992 : index
    %swap3A_22 = tpu.vector_load %arg7[%swap3A] {strides = array<i32>} : memref<5008xi32, #tpu.memory_space<vmem>>, vector<16xi32>,
    tpu.vector_store %arg7[%swap3A], %gather3A {strides = array<i32>} : memref<5008xi32, #tpu.memory_space<vmem>>, vector<16xi32>,
    "tpu.region"() ({
      %run_scoped3A = tpu.sem_alloc : memref<!tpu.dma_semaphore, #tpu.memory_space<semaphore_mem>>
      %dma_start3A_23 = arith.constant 0 : i32
      %dma_start3A_24 = tpu.memref_slice %arg7[%dma_start3A_23] : memref<5008xi32, #tpu.memory_space<vmem>> -> memref<5000xi32, #tpu.memory_space<vmem>>
      %dma_start3A_25 = tpu.memref_slice %arg4[%mul3A_2] : memref<160000xi32, #tpu.memory_space<hbm>> -> memref<5000xi32, #tpu.memory_space<hbm>>
      %dma_start3A_26 = tpu.memref_slice %arg4[%mul3A_2] : memref<160000xi32, #tpu.memory_space<hbm>> -> memref<5000xi32, #tpu.memory_space<hbm>>
      %dma_start3A_27 = arith.constant 0 : i32
      %dma_start3A_28 = tpu.memref_slice %arg7[%dma_start3A_27] : memref<5008xi32, #tpu.memory_space<vmem>> -> memref<5000xi32, #tpu.memory_space<vmem>>
      tpu.enqueue_dma source(%dma_start3A_28 : memref<5000xi32, #tpu.memory_space<vmem>>) target(%dma_start3A_26 : memref<5000xi32, #tpu.memory_space<hbm>>) target_semaphore(%run_scoped3A : memref<!tpu.dma_semaphore, #tpu.memory_space<semaphore_mem>>)
      %dma_wait3A_29 = arith.constant 0 : i32
      %dma_wait3A_30 = tpu.memref_slice %arg7[%dma_wait3A_29] : memref<5008xi32, #tpu.memory_space<vmem>> -> memref<5000xi32, #tpu.memory_space<vmem>>
      %dma_wait3A_31 = tpu.memref_slice %arg4[%mul3A_2] : memref<160000xi32, #tpu.memory_space<hbm>> -> memref<5000xi32, #tpu.memory_space<hbm>>
      %dma_wait3A_32 = tpu.memref_slice %arg4[%mul3A_2] : memref<160000xi32, #tpu.memory_space<hbm>> -> memref<5000xi32, #tpu.memory_space<hbm>>
      %dma_wait3A_33 = arith.constant 0 : i32
      %dma_wait3A_34 = tpu.memref_slice %arg7[%dma_wait3A_33] : memref<5008xi32, #tpu.memory_space<vmem>> -> memref<5000xi32, #tpu.memory_space<vmem>>
      tpu.wait_dma2 semaphore(%run_scoped3A : memref<!tpu.dma_semaphore, #tpu.memory_space<semaphore_mem>>) src(%dma_wait3A_34 : memref<5000xi32, #tpu.memory_space<vmem>>) dst(%dma_wait3A_32 : memref<5000xi32, #tpu.memory_space<hbm>>)
      tpu.yield
    }) : () -> ()
    return
  }
}

module attributes {stable_mosaic.version = 14 : i64} {
  func.func @_tc_kernel(%arg0: i32, %arg1: memref<1x1x6400xi32, #tpu.memory_space<vmem>>, %arg2: memref<6400x256xf32, #tpu.memory_space<vmem>>, %arg3: memref<256x512xf32, #tpu.memory_space<vmem>>, %arg4: memref<1x512xf32, #tpu.memory_space<vmem>>, %arg5: memref<512x256xf32, #tpu.memory_space<vmem>>, %arg6: memref<1x256xf32, #tpu.memory_space<vmem>>, %arg7: memref<64x256xf32, #tpu.memory_space<vmem>>, %arg8: memref<64x256xf32, #tpu.memory_space<vmem>>, %arg9: memref<64x128xf32, #tpu.memory_space<vmem>>) attributes {dimension_semantics = [#tpu.dimension_semantics<arbitrary>], iteration_bounds = array<i64: 25>, scalar_prefetch = 0 : i64, scratch_operands = 2 : i64, tpu.core_type = #tpu.core_type<tc>, window_params = [{transform_indices = @transform_0, window_bounds = array<i64: 1, 1, 6400>}, {transform_indices = @transform_1, window_bounds = array<i64: 6400, 256>}, {pipeline_mode = #tpu.pipeline_mode<synchronous>, transform_indices = @transform_2, window_bounds = array<i64: 256, 512>}, {pipeline_mode = #tpu.pipeline_mode<synchronous>, transform_indices = @transform_3, window_bounds = array<i64: 1, 512>}, {pipeline_mode = #tpu.pipeline_mode<synchronous>, transform_indices = @transform_4, window_bounds = array<i64: 512, 256>}, {pipeline_mode = #tpu.pipeline_mode<synchronous>, transform_indices = @transform_5, window_bounds = array<i64: 1, 256>}, {pipeline_mode = #tpu.pipeline_mode<synchronous>, transform_indices = @transform_6, window_bounds = array<i64: 64, 256>}]} {
    %eq3A = arith.constant 0 : i32
    %eq3A_0 = arith.cmpi eq, %arg0, %eq3A : i32
    %convert_element_type3A = arith.extui %eq3A_0 : i1 to i32
    %cond3A = arith.constant 0 : i32
    %cond3A_1 = arith.cmpi ne, %convert_element_type3A, %cond3A : i32
    scf.if %cond3A_1 {
      %broadcast_in_dim3A_129 = arith.constant 0.000000e+00 : f32
      %broadcast_in_dim3A_130 = vector.broadcast %broadcast_in_dim3A_129 : f32 to vector<64x256xf32>
      %swap3A_131 = arith.constant 0 : index
      %swap3A_132 = arith.constant 0 : index
      %swap3A_133 = vector.load %arg8[%swap3A_131, %swap3A_132] : memref<64x256xf32, #tpu.memory_space<vmem>>, vector<64x256xf32>
      tpu.vector_store %arg8[%swap3A_131, %swap3A_132], %broadcast_in_dim3A_130 {strides = array<i32>} : memref<64x256xf32, #tpu.memory_space<vmem>>, vector<64x256xf32>,
      %broadcast_in_dim3A_134 = arith.constant 0.000000e+00 : f32
      %broadcast_in_dim3A_135 = vector.broadcast %broadcast_in_dim3A_134 : f32 to vector<64x128xf32>
      %swap3A_136 = arith.constant 0 : index
      %swap3A_137 = arith.constant 0 : index
      %swap3A_138 = vector.load %arg9[%swap3A_136, %swap3A_137] : memref<64x128xf32, #tpu.memory_space<vmem>>, vector<64x128xf32>
      tpu.vector_store %arg9[%swap3A_136, %swap3A_137], %broadcast_in_dim3A_135 {strides = array<i32>} : memref<64x128xf32, #tpu.memory_space<vmem>>, vector<64x128xf32>,
    } else {
    }
    %get3A = arith.constant 0 : index
    %get3A_2 = arith.constant 0 : index
    %get3A_3 = arith.constant 0 : index
    %get3A_4 = vector.load %arg1[%get3A, %get3A_2, %get3A_3] : memref<1x1x6400xi32, #tpu.memory_space<vmem>>, vector<1x1x6400xi32>
    %get3A_5 = vector.shape_cast %get3A_4 : vector<1x1x6400xi32> to vector<6400xi32>
    %broadcast_in_dim3A = vector.shape_cast %get3A_5 : vector<6400xi32> to vector<1x6400xi32>
    %iota3A = tpu.iota {dimensions = array<i32: 0>} : vector<64x6400xi32>
    %eq3A_6 = vector.broadcast %broadcast_in_dim3A : vector<1x6400xi32> to vector<64x6400xi32>
    %eq3A_7 = arith.cmpi eq, %eq3A_6, %iota3A : vector<64x6400xi32>
    %convert_element_type3A_8 = arith.extui %eq3A_7 : vector<64x6400xi1> to vector<64x6400xi32>
    %convert_element_type3A_9 = arith.sitofp %convert_element_type3A_8 : vector<64x6400xi32> to vector<64x6400xf32>
    %get3A_10 = arith.constant 0 : index
    %get3A_11 = arith.constant 0 : index
    %get3A_12 = vector.load %arg8[%get3A_10, %get3A_11] : memref<64x256xf32, #tpu.memory_space<vmem>>, vector<64x256xf32>
    %get3A_13 = arith.constant 0 : index
    %get3A_14 = arith.constant 0 : index
    %get3A_15 = vector.load %arg2[%get3A_13, %get3A_14] : memref<6400x256xf32, #tpu.memory_space<vmem>>, vector<6400x256xf32>
    %dot_general3A = arith.constant dense<0.000000e+00> : vector<64x256xf32>
    %dot_general3A_16 = tpu.matmul %convert_element_type3A_9, %get3A_15, %dot_general3A {dimension_numbers = #tpu.dot_dimension_numbers<[1], [0], [0], [1], [0, 0, 1, 1], [], []>, transpose_lhs_hint = false} : vector<64x6400xf32>, vector<6400x256xf32>, vector<64x256xf32> -> vector<64x256xf32>
    %add3A = arith.addf %get3A_12, %dot_general3A_16 : vector<64x256xf32>
    %swap3A = arith.constant 0 : index
    %swap3A_17 = arith.constant 0 : index
    %swap3A_18 = vector.load %arg8[%swap3A, %swap3A_17] : memref<64x256xf32, #tpu.memory_space<vmem>>, vector<64x256xf32>
    tpu.vector_store %arg8[%swap3A, %swap3A_17], %add3A {strides = array<i32>} : memref<64x256xf32, #tpu.memory_space<vmem>>, vector<64x256xf32>,
    %slice3A = vector.extract_strided_slice %convert_element_type3A_9 {offsets = [0, 0], sizes = [64, 128], strides = [1, 1]} : vector<64x6400xf32> to vector<64x128xf32>
    %slice3A_19 = vector.extract_strided_slice %convert_element_type3A_9 {offsets = [0, 128], sizes = [64, 128], strides = [1, 1]} : vector<64x6400xf32> to vector<64x128xf32>
    %add3A_20 = arith.addf %slice3A, %slice3A_19 : vector<64x128xf32>
    %slice3A_21 = vector.extract_strided_slice %convert_element_type3A_9 {offsets = [0, 256], sizes = [64, 128], strides = [1, 1]} : vector<64x6400xf32> to vector<64x128xf32>
    %add3A_22 = arith.addf %add3A_20, %slice3A_21 : vector<64x128xf32>
    %slice3A_23 = vector.extract_strided_slice %convert_element_type3A_9 {offsets = [0, 384], sizes = [64, 128], strides = [1, 1]} : vector<64x6400xf32> to vector<64x128xf32>
    %add3A_24 = arith.addf %add3A_22, %slice3A_23 : vector<64x128xf32>
    %slice3A_25 = vector.extract_strided_slice %convert_element_type3A_9 {offsets = [0, 512], sizes = [64, 128], strides = [1, 1]} : vector<64x6400xf32> to vector<64x128xf32>
    %add3A_26 = arith.addf %add3A_24, %slice3A_25 : vector<64x128xf32>
    %slice3A_27 = vector.extract_strided_slice %convert_element_type3A_9 {offsets = [0, 640], sizes = [64, 128], strides = [1, 1]} : vector<64x6400xf32> to vector<64x128xf32>
    %add3A_28 = arith.addf %add3A_26, %slice3A_27 : vector<64x128xf32>
    %slice3A_29 = vector.extract_strided_slice %convert_element_type3A_9 {offsets = [0, 768], sizes = [64, 128], strides = [1, 1]} : vector<64x6400xf32> to vector<64x128xf32>
    %add3A_30 = arith.addf %add3A_28, %slice3A_29 : vector<64x128xf32>
    %slice3A_31 = vector.extract_strided_slice %convert_element_type3A_9 {offsets = [0, 896], sizes = [64, 128], strides = [1, 1]} : vector<64x6400xf32> to vector<64x128xf32>
    %add3A_32 = arith.addf %add3A_30, %slice3A_31 : vector<64x128xf32>
    %slice3A_33 = vector.extract_strided_slice %convert_element_type3A_9 {offsets = [0, 1024], sizes = [64, 128], strides = [1, 1]} : vector<64x6400xf32> to vector<64x128xf32>
    %add3A_34 = arith.addf %add3A_32, %slice3A_33 : vector<64x128xf32>
    %slice3A_35 = vector.extract_strided_slice %convert_element_type3A_9 {offsets = [0, 1152], sizes = [64, 128], strides = [1, 1]} : vector<64x6400xf32> to vector<64x128xf32>
    %add3A_36 = arith.addf %add3A_34, %slice3A_35 : vector<64x128xf32>
    %slice3A_37 = vector.extract_strided_slice %convert_element_type3A_9 {offsets = [0, 1280], sizes = [64, 128], strides = [1, 1]} : vector<64x6400xf32> to vector<64x128xf32>
    %add3A_38 = arith.addf %add3A_36, %slice3A_37 : vector<64x128xf32>
    %slice3A_39 = vector.extract_strided_slice %convert_element_type3A_9 {offsets = [0, 1408], sizes = [64, 128], strides = [1, 1]} : vector<64x6400xf32> to vector<64x128xf32>
    %add3A_40 = arith.addf %add3A_38, %slice3A_39 : vector<64x128xf32>
    %slice3A_41 = vector.extract_strided_slice %convert_element_type3A_9 {offsets = [0, 1536], sizes = [64, 128], strides = [1, 1]} : vector<64x6400xf32> to vector<64x128xf32>
    %add3A_42 = arith.addf %add3A_40, %slice3A_41 : vector<64x128xf32>
    %slice3A_43 = vector.extract_strided_slice %convert_element_type3A_9 {offsets = [0, 1664], sizes = [64, 128], strides = [1, 1]} : vector<64x6400xf32> to vector<64x128xf32>
    %add3A_44 = arith.addf %add3A_42, %slice3A_43 : vector<64x128xf32>
    %slice3A_45 = vector.extract_strided_slice %convert_element_type3A_9 {offsets = [0, 1792], sizes = [64, 128], strides = [1, 1]} : vector<64x6400xf32> to vector<64x128xf32>
    %add3A_46 = arith.addf %add3A_44, %slice3A_45 : vector<64x128xf32>
    %slice3A_47 = vector.extract_strided_slice %convert_element_type3A_9 {offsets = [0, 1920], sizes = [64, 128], strides = [1, 1]} : vector<64x6400xf32> to vector<64x128xf32>
    %add3A_48 = arith.addf %add3A_46, %slice3A_47 : vector<64x128xf32>
    %slice3A_49 = vector.extract_strided_slice %convert_element_type3A_9 {offsets = [0, 2048], sizes = [64, 128], strides = [1, 1]} : vector<64x6400xf32> to vector<64x128xf32>
    %add3A_50 = arith.addf %add3A_48, %slice3A_49 : vector<64x128xf32>
    %slice3A_51 = vector.extract_strided_slice %convert_element_type3A_9 {offsets = [0, 2176], sizes = [64, 128], strides = [1, 1]} : vector<64x6400xf32> to vector<64x128xf32>
    %add3A_52 = arith.addf %add3A_50, %slice3A_51 : vector<64x128xf32>
    %slice3A_53 = vector.extract_strided_slice %convert_element_type3A_9 {offsets = [0, 2304], sizes = [64, 128], strides = [1, 1]} : vector<64x6400xf32> to vector<64x128xf32>
    %add3A_54 = arith.addf %add3A_52, %slice3A_53 : vector<64x128xf32>
    %slice3A_55 = vector.extract_strided_slice %convert_element_type3A_9 {offsets = [0, 2432], sizes = [64, 128], strides = [1, 1]} : vector<64x6400xf32> to vector<64x128xf32>
    %add3A_56 = arith.addf %add3A_54, %slice3A_55 : vector<64x128xf32>
    %slice3A_57 = vector.extract_strided_slice %convert_element_type3A_9 {offsets = [0, 2560], sizes = [64, 128], strides = [1, 1]} : vector<64x6400xf32> to vector<64x128xf32>
    %add3A_58 = arith.addf %add3A_56, %slice3A_57 : vector<64x128xf32>
    %slice3A_59 = vector.extract_strided_slice %convert_element_type3A_9 {offsets = [0, 2688], sizes = [64, 128], strides = [1, 1]} : vector<64x6400xf32> to vector<64x128xf32>
    %add3A_60 = arith.addf %add3A_58, %slice3A_59 : vector<64x128xf32>
    %slice3A_61 = vector.extract_strided_slice %convert_element_type3A_9 {offsets = [0, 2816], sizes = [64, 128], strides = [1, 1]} : vector<64x6400xf32> to vector<64x128xf32>
    %add3A_62 = arith.addf %add3A_60, %slice3A_61 : vector<64x128xf32>
    %slice3A_63 = vector.extract_strided_slice %convert_element_type3A_9 {offsets = [0, 2944], sizes = [64, 128], strides = [1, 1]} : vector<64x6400xf32> to vector<64x128xf32>
    %add3A_64 = arith.addf %add3A_62, %slice3A_63 : vector<64x128xf32>
    %slice3A_65 = vector.extract_strided_slice %convert_element_type3A_9 {offsets = [0, 3072], sizes = [64, 128], strides = [1, 1]} : vector<64x6400xf32> to vector<64x128xf32>
    %add3A_66 = arith.addf %add3A_64, %slice3A_65 : vector<64x128xf32>
    %slice3A_67 = vector.extract_strided_slice %convert_element_type3A_9 {offsets = [0, 3200], sizes = [64, 128], strides = [1, 1]} : vector<64x6400xf32> to vector<64x128xf32>
    %add3A_68 = arith.addf %add3A_66, %slice3A_67 : vector<64x128xf32>
    %slice3A_69 = vector.extract_strided_slice %convert_element_type3A_9 {offsets = [0, 3328], sizes = [64, 128], strides = [1, 1]} : vector<64x6400xf32> to vector<64x128xf32>
    %add3A_70 = arith.addf %add3A_68, %slice3A_69 : vector<64x128xf32>
    %slice3A_71 = vector.extract_strided_slice %convert_element_type3A_9 {offsets = [0, 3456], sizes = [64, 128], strides = [1, 1]} : vector<64x6400xf32> to vector<64x128xf32>
    %add3A_72 = arith.addf %add3A_70, %slice3A_71 : vector<64x128xf32>
    %slice3A_73 = vector.extract_strided_slice %convert_element_type3A_9 {offsets = [0, 3584], sizes = [64, 128], strides = [1, 1]} : vector<64x6400xf32> to vector<64x128xf32>
    %add3A_74 = arith.addf %add3A_72, %slice3A_73 : vector<64x128xf32>
    %slice3A_75 = vector.extract_strided_slice %convert_element_type3A_9 {offsets = [0, 3712], sizes = [64, 128], strides = [1, 1]} : vector<64x6400xf32> to vector<64x128xf32>
    %add3A_76 = arith.addf %add3A_74, %slice3A_75 : vector<64x128xf32>
    %slice3A_77 = vector.extract_strided_slice %convert_element_type3A_9 {offsets = [0, 3840], sizes = [64, 128], strides = [1, 1]} : vector<64x6400xf32> to vector<64x128xf32>
    %add3A_78 = arith.addf %add3A_76, %slice3A_77 : vector<64x128xf32>
    %slice3A_79 = vector.extract_strided_slice %convert_element_type3A_9 {offsets = [0, 3968], sizes = [64, 128], strides = [1, 1]} : vector<64x6400xf32> to vector<64x128xf32>
    %add3A_80 = arith.addf %add3A_78, %slice3A_79 : vector<64x128xf32>
    %slice3A_81 = vector.extract_strided_slice %convert_element_type3A_9 {offsets = [0, 4096], sizes = [64, 128], strides = [1, 1]} : vector<64x6400xf32> to vector<64x128xf32>
    %add3A_82 = arith.addf %add3A_80, %slice3A_81 : vector<64x128xf32>
    %slice3A_83 = vector.extract_strided_slice %convert_element_type3A_9 {offsets = [0, 4224], sizes = [64, 128], strides = [1, 1]} : vector<64x6400xf32> to vector<64x128xf32>
    %add3A_84 = arith.addf %add3A_82, %slice3A_83 : vector<64x128xf32>
    %slice3A_85 = vector.extract_strided_slice %convert_element_type3A_9 {offsets = [0, 4352], sizes = [64, 128], strides = [1, 1]} : vector<64x6400xf32> to vector<64x128xf32>
    %add3A_86 = arith.addf %add3A_84, %slice3A_85 : vector<64x128xf32>
    %slice3A_87 = vector.extract_strided_slice %convert_element_type3A_9 {offsets = [0, 4480], sizes = [64, 128], strides = [1, 1]} : vector<64x6400xf32> to vector<64x128xf32>
    %add3A_88 = arith.addf %add3A_86, %slice3A_87 : vector<64x128xf32>
    %slice3A_89 = vector.extract_strided_slice %convert_element_type3A_9 {offsets = [0, 4608], sizes = [64, 128], strides = [1, 1]} : vector<64x6400xf32> to vector<64x128xf32>
    %add3A_90 = arith.addf %add3A_88, %slice3A_89 : vector<64x128xf32>
    %slice3A_91 = vector.extract_strided_slice %convert_element_type3A_9 {offsets = [0, 4736], sizes = [64, 128], strides = [1, 1]} : vector<64x6400xf32> to vector<64x128xf32>
    %add3A_92 = arith.addf %add3A_90, %slice3A_91 : vector<64x128xf32>
    %slice3A_93 = vector.extract_strided_slice %convert_element_type3A_9 {offsets = [0, 4864], sizes = [64, 128], strides = [1, 1]} : vector<64x6400xf32> to vector<64x128xf32>
    %add3A_94 = arith.addf %add3A_92, %slice3A_93 : vector<64x128xf32>
    %slice3A_95 = vector.extract_strided_slice %convert_element_type3A_9 {offsets = [0, 4992], sizes = [64, 128], strides = [1, 1]} : vector<64x6400xf32> to vector<64x128xf32>
    %add3A_96 = arith.addf %add3A_94, %slice3A_95 : vector<64x128xf32>
    %slice3A_97 = vector.extract_strided_slice %convert_element_type3A_9 {offsets = [0, 5120], sizes = [64, 128], strides = [1, 1]} : vector<64x6400xf32> to vector<64x128xf32>
    %add3A_98 = arith.addf %add3A_96, %slice3A_97 : vector<64x128xf32>
    %slice3A_99 = vector.extract_strided_slice %convert_element_type3A_9 {offsets = [0, 5248], sizes = [64, 128], strides = [1, 1]} : vector<64x6400xf32> to vector<64x128xf32>
    %add3A_100 = arith.addf %add3A_98, %slice3A_99 : vector<64x128xf32>
    %slice3A_101 = vector.extract_strided_slice %convert_element_type3A_9 {offsets = [0, 5376], sizes = [64, 128], strides = [1, 1]} : vector<64x6400xf32> to vector<64x128xf32>
    %add3A_102 = arith.addf %add3A_100, %slice3A_101 : vector<64x128xf32>
    %slice3A_103 = vector.extract_strided_slice %convert_element_type3A_9 {offsets = [0, 5504], sizes = [64, 128], strides = [1, 1]} : vector<64x6400xf32> to vector<64x128xf32>
    %add3A_104 = arith.addf %add3A_102, %slice3A_103 : vector<64x128xf32>
    %slice3A_105 = vector.extract_strided_slice %convert_element_type3A_9 {offsets = [0, 5632], sizes = [64, 128], strides = [1, 1]} : vector<64x6400xf32> to vector<64x128xf32>
    %add3A_106 = arith.addf %add3A_104, %slice3A_105 : vector<64x128xf32>
    %slice3A_107 = vector.extract_strided_slice %convert_element_type3A_9 {offsets = [0, 5760], sizes = [64, 128], strides = [1, 1]} : vector<64x6400xf32> to vector<64x128xf32>
    %add3A_108 = arith.addf %add3A_106, %slice3A_107 : vector<64x128xf32>
    %slice3A_109 = vector.extract_strided_slice %convert_element_type3A_9 {offsets = [0, 5888], sizes = [64, 128], strides = [1, 1]} : vector<64x6400xf32> to vector<64x128xf32>
    %add3A_110 = arith.addf %add3A_108, %slice3A_109 : vector<64x128xf32>
    %slice3A_111 = vector.extract_strided_slice %convert_element_type3A_9 {offsets = [0, 6016], sizes = [64, 128], strides = [1, 1]} : vector<64x6400xf32> to vector<64x128xf32>
    %add3A_112 = arith.addf %add3A_110, %slice3A_111 : vector<64x128xf32>
    %slice3A_113 = vector.extract_strided_slice %convert_element_type3A_9 {offsets = [0, 6144], sizes = [64, 128], strides = [1, 1]} : vector<64x6400xf32> to vector<64x128xf32>
    %add3A_114 = arith.addf %add3A_112, %slice3A_113 : vector<64x128xf32>
    %slice3A_115 = vector.extract_strided_slice %convert_element_type3A_9 {offsets = [0, 6272], sizes = [64, 128], strides = [1, 1]} : vector<64x6400xf32> to vector<64x128xf32>
    %add3A_116 = arith.addf %add3A_114, %slice3A_115 : vector<64x128xf32>
    %get3A_117 = arith.constant 0 : index
    %get3A_118 = arith.constant 0 : index
    %get3A_119 = vector.load %arg9[%get3A_117, %get3A_118] : memref<64x128xf32, #tpu.memory_space<vmem>>, vector<64x128xf32>
    %add3A_120 = arith.addf %get3A_119, %add3A_116 : vector<64x128xf32>
    %swap3A_121 = arith.constant 0 : index
    %swap3A_122 = arith.constant 0 : index
    %swap3A_123 = vector.load %arg9[%swap3A_121, %swap3A_122] : memref<64x128xf32, #tpu.memory_space<vmem>>, vector<64x128xf32>
    tpu.vector_store %arg9[%swap3A_121, %swap3A_122], %add3A_120 {strides = array<i32>} : memref<64x128xf32, #tpu.memory_space<vmem>>, vector<64x128xf32>,
    %eq3A_124 = arith.constant 24 : i32
    %eq3A_125 = arith.cmpi eq, %arg0, %eq3A_124 : i32
    %convert_element_type3A_126 = arith.extui %eq3A_125 : i1 to i32
    %cond3A_127 = arith.constant 0 : i32
    %cond3A_128 = arith.cmpi ne, %convert_element_type3A_126, %cond3A_127 : i32
    scf.if %cond3A_128 {
      %get3A_129 = arith.constant 0 : index
      %get3A_130 = arith.constant 0 : index
      %get3A_131 = vector.load %arg9[%get3A_129, %get3A_130] : memref<64x128xf32, #tpu.memory_space<vmem>>, vector<64x128xf32>
      %reduce_sum3A = arith.constant dense<0.000000e+00> : vector<64xf32>
      %reduce_sum3A_132 = vector.multi_reduction <add>, %get3A_131, %reduce_sum3A [1] : vector<64x128xf32> to vector<64xf32>
      %broadcast_in_dim3A_133 = vector.shape_cast %reduce_sum3A_132 : vector<64xf32> to vector<64x1xf32>
      %get3A_134 = arith.constant 0 : index
      %get3A_135 = arith.constant 0 : index
      %get3A_136 = vector.load %arg8[%get3A_134, %get3A_135] : memref<64x256xf32, #tpu.memory_space<vmem>>, vector<64x256xf32>
      %max3A = arith.constant 1.000000e+00 : f32
      %max3A_137 = vector.broadcast %max3A : f32 to vector<64x1xf32>
      %max3A_138 = arith.maximumf %broadcast_in_dim3A_133, %max3A_137 : vector<64x1xf32>
      %div3A = vector.broadcast %max3A_138 : vector<64x1xf32> to vector<64x256xf32>
      %div3A_139 = arith.divf %get3A_136, %div3A : vector<64x256xf32>
      %get3A_140 = arith.constant 0 : index
      %get3A_141 = arith.constant 0 : index
      %get3A_142 = vector.load %arg3[%get3A_140, %get3A_141] : memref<256x512xf32, #tpu.memory_space<vmem>>, vector<256x512xf32>
      %dot_general3A_143 = arith.constant dense<0.000000e+00> : vector<64x512xf32>
      %dot_general3A_144 = tpu.matmul %div3A_139, %get3A_142, %dot_general3A_143 {dimension_numbers = #tpu.dot_dimension_numbers<[1], [0], [0], [1], [0, 0, 1, 1], [], []>, transpose_lhs_hint = false} : vector<64x256xf32>, vector<256x512xf32>, vector<64x512xf32> -> vector<64x512xf32>
      %get3A_145 = arith.constant 0 : index
      %get3A_146 = arith.constant 0 : index
      %get3A_147 = vector.load %arg4[%get3A_145, %get3A_146] : memref<1x512xf32, #tpu.memory_space<vmem>>, vector<1x512xf32>
      %add3A_148 = vector.broadcast %get3A_147 : vector<1x512xf32> to vector<64x512xf32>
      %add3A_149 = arith.addf %dot_general3A_144, %add3A_148 : vector<64x512xf32>
      %max3A_150 = arith.constant 0.000000e+00 : f32
      %max3A_151 = vector.broadcast %max3A_150 : f32 to vector<64x512xf32>
      %max3A_152 = arith.maximumf %add3A_149, %max3A_151 : vector<64x512xf32>
      %get3A_153 = arith.constant 0 : index
      %get3A_154 = arith.constant 0 : index
      %get3A_155 = vector.load %arg5[%get3A_153, %get3A_154] : memref<512x256xf32, #tpu.memory_space<vmem>>, vector<512x256xf32>
      %dot_general3A_156 = arith.constant dense<0.000000e+00> : vector<64x256xf32>
      %dot_general3A_157 = tpu.matmul %max3A_152, %get3A_155, %dot_general3A_156 {dimension_numbers = #tpu.dot_dimension_numbers<[1], [0], [0], [1], [0, 0, 1, 1], [], []>, transpose_lhs_hint = false} : vector<64x512xf32>, vector<512x256xf32>, vector<64x256xf32> -> vector<64x256xf32>
      %get3A_158 = arith.constant 0 : index
      %get3A_159 = arith.constant 0 : index
      %get3A_160 = vector.load %arg6[%get3A_158, %get3A_159] : memref<1x256xf32, #tpu.memory_space<vmem>>, vector<1x256xf32>
      %add3A_161 = vector.broadcast %get3A_160 : vector<1x256xf32> to vector<64x256xf32>
      %add3A_162 = arith.addf %dot_general3A_157, %add3A_161 : vector<64x256xf32>
      %swap3A_163 = arith.constant 0 : index
      %swap3A_164 = arith.constant 0 : index
      %swap3A_165 = vector.load %arg7[%swap3A_163, %swap3A_164] : memref<64x256xf32, #tpu.memory_space<vmem>>, vector<64x256xf32>
      tpu.vector_store %arg7[%swap3A_163, %swap3A_164], %add3A_162 {strides = array<i32>} : memref<64x256xf32, #tpu.memory_space<vmem>>, vector<64x256xf32>,
    } else {
    }
    return
  }
  func.func @transform_0(%arg0: i32) -> (i32, i32, i32) {
    %c0_i32 = arith.constant 0 : i32
    %c0_i32_0 = arith.constant 0 : i32
    %c0_i32_1 = arith.constant 0 : i32
    return %arg0, %c0_i32, %c0_i32_0 : i32, i32, i32
  }
  func.func @transform_1(%arg0: i32) -> (i32, i32) {
    %c0_i32 = arith.constant 0 : i32
    %c0_i32_0 = arith.constant 0 : i32
    return %arg0, %c0_i32 : i32, i32
  }
  func.func @transform_2(%arg0: i32) -> (i32, i32) {
    %c0_i32 = arith.constant 0 : i32
    %c0_i32_0 = arith.constant 0 : i32
    %c0_i32_1 = arith.constant 0 : i32
    return %c0_i32, %c0_i32_0 : i32, i32
  }
  func.func @transform_3(%arg0: i32) -> (i32, i32) {
    %c0_i32 = arith.constant 0 : i32
    %c0_i32_0 = arith.constant 0 : i32
    %c0_i32_1 = arith.constant 0 : i32
    return %c0_i32, %c0_i32_0 : i32, i32
  }
  func.func @transform_4(%arg0: i32) -> (i32, i32) {
    %c0_i32 = arith.constant 0 : i32
    %c0_i32_0 = arith.constant 0 : i32
    %c0_i32_1 = arith.constant 0 : i32
    return %c0_i32, %c0_i32_0 : i32, i32
  }
  func.func @transform_5(%arg0: i32) -> (i32, i32) {
    %c0_i32 = arith.constant 0 : i32
    %c0_i32_0 = arith.constant 0 : i32
    %c0_i32_1 = arith.constant 0 : i32
    return %c0_i32, %c0_i32_0 : i32, i32
  }
  func.func @transform_6(%arg0: i32) -> (i32, i32) {
    %c0_i32 = arith.constant 0 : i32
    %c0_i32_0 = arith.constant 0 : i32
    %c0_i32_1 = arith.constant 0 : i32
    return %c0_i32, %c0_i32_0 : i32, i32
  }
}

</mosaic_0001>

<sc_bundles>
// kernel: kernel.4.cloned.1.call-start
scs
__scs_entry_jumppad:
0x0: {  	(pc) =	sbr.rel $0x88, $3  }
0x1: {  	(tag) =	ssettag $0x0;
	lr =	simm.s32 $0x1  }
0x2: {  	[smem:$0x3F9A] =	sst lr;
	_ =	strace $0xD0000000  }
0x3: {  	_ = 	snop  }
0x4: {  	_ = 	snop  }
0x5: {  	_ = 	snop  }
0x6: {  	_ = 	snop  }
0x7: {  	_ = 	snop  }
__scs_overlays_trampoline_lowered:
0x8: {  	[smem:$0x3FA9] =	sst s0  }
0x9: {  	[smem:$0x3FAA] =	sst s1  }
0xa: {  	[smem:$0x3FAB] =	sst s2  }
0xb: {  	[smem:$0x3FAC] =	sst s3  }
0xc: {  	[smem:$0x3FAD] =	sst s4  }
0xd: {  	[smem:$0x3FAE] =	sst s5  }
0xe: {  	[smem:$0x3FAF] =	sst s6  }
0xf: {  	[smem:$0x3FB0] =	sst s7  }
0x10: {  	[smem:$0x3FB1] =	sst s8  }
0x11: {  	[smem:$0x3FB2] =	sst s9;
	s0 =	simm.s32 @!p0 $0x0  }
0x12: {  	s1 =	sld [smem:$0x3F98];
	s0 =	simm.s32 @p0 $0x1  }
0x13: {  	[smem:$0x3FB3] =	sst s0;
	s0 =	simm.s32 @!p1 $0x0  }
0x14: {  	s2 =	sld [smem:$0x3F97];
	s0 =	simm.s32 @p1 $0x1  }
0x15: {  	[smem:$0x3FB4] =	sst s0;
	s0 =	simm.s32 @!p2 $0x0  }
0x16: {  	s3 =	sld [smem:$0x3FDB];
	s0 =	simm.s32 @p2 $0x1  }
0x17: {  	s4 =	simm.s32 $0x1BF5;
	[smem:$0x3FB6] =	sst s0  }
0x18: {  	s0 =	sld [smem:$0x3F99];
	_ =	swait.ge [sflag:s4], $0x0  }
0x19: {  	s7 =	sld [smem:$0x3F9A]  }
0x1a: {  	s8 =	sadd.s32 $0xFFFFE003, lr  }
0x1b: {  	s9 =	sadd.s32 $0xFFFFFEF7, lr;
	s5 =	simm.s32 $0xFFFFFFFF;
	p2 =	slt.u32 s8, $0xFFFFF086  }
0x1c: {  	p1 =	slt.u32 s9, $0xF7A;
	s5 =	simm.s32 @!p2 $0x0  }
0x1d: {  	s5 =	simm.s32 @p1 $0x1;
	p0 =	seq.s32 s7, s2  }
0x1e: {  	s7 =	smul.u32 @!p0 $0xF7A, s2;
	p2 =	seq.s32 @!p0 s5, $0x0  }
0x1f: {  	s9 =	smul.u32 $0xF7A, s1;
	s8 =	simm.s32 @!p0 $0x1BF5;
	p2 =	por !p2, p0  }
0x20: {  	[sflag:s8] =	ssyncset.s32 @!p0 $0xFFFFF086;
	s6 =	sadd.s32 @!p0 s3, s7;
	s7 =	simm.s32 @!p0 $0x108  }
0x21: {  	s3 =	sadd.s32 s3, s9;
	s6 =	sadd.s32 @!p0 $0x88, s6;
	s7 =	simm.s32 @p2 $0x1082  }
0x22: {  	[simem:s7], [sflag:s8] =	dma.local @!p0 [hbm:s6], $0xF7A  }
0x23: {  	s9 =	sor.u32 $0xD0000000, s2;
	s6 =	simm.s32 $0x108;
	_ =	swait.ge @!p0 [sflag:s8], $0x0  }
0x24: {  	s3 =	sadd.s32 $0x88, s3;
	s6 =	simm.s32 @!p1 $0x1082;
	[sflag:s4] =	ssyncset.s32 $0xFFFFF086  }
0x25: {  	[simem:s6], [sflag:s4] =	dma.local [hbm:s3], $0xF7A  }
0x26: {  	[smem:$0x3F9A] =	sst s1;
	(tag) =	ssettag s2;
	_ =	strace s9  }
0x27: {  	s1 =	sld [smem:$0x3FAA]  }
0x28: {  	s2 =	sld [smem:$0x3FAB]  }
0x29: {  	s4 =	sld [smem:$0x3FAD]  }
0x2a: {  	p0 =	seq.s32 s5, $0x0;
	s5 =	sld [smem:$0x3FAE]  }
0x2b: {  	s6 =	sld [smem:$0x3FAF]  }
0x2c: {  	s7 =	sld [smem:$0x3FB0]  }
0x2d: {  	s3 =	simm.s32 $0x108;
	s8 =	sld [smem:$0x3FB1]  }
0x2e: {  	s3 =	simm.s32 @!p0 $0x1082;
	s9 =	sld [smem:$0x3FB2]  }
0x2f: {  	lr =	sadd.s32 s0, s3;
	s0 =	sld [smem:$0x3FA9]  }
0x30: {  	s3 =	sld [smem:$0x3FAC]  }
0x31: {  	[smem:$0x3FB5] =	sst s10  }
0x32: {  	s10 =	sld [smem:$0x3FB3];
	_ =	sdelay $0x3  }
0x33: {  	p0 =	seq.s32 s10, $0x1;
	s10 =	sld [smem:$0x3FB5];
	_ =	sdelay $0x3  }
0x34: {  	[smem:$0x3FB5] =	sst s10  }
0x35: {  	s10 =	sld [smem:$0x3FB4];
	_ =	sdelay $0x3  }
0x36: {  	p1 =	seq.s32 s10, $0x1;
	s10 =	sld [smem:$0x3FB5];
	_ =	sdelay $0x3  }
0x37: {  	[smem:$0x3FB5] =	sst s10  }
0x38: {  	s10 =	sld [smem:$0x3FB6]  }
0x39: {  	_ = 	snop;
	(pc) =	sbr.ind lr, $3  }
0x3a: {  	_ = 	snop  }
0x3b: {  	_ = 	snop  }
0x3c: {  	p2 =	seq.s32 s10, $0x1;
	s10 =	sld [smem:$0x3FB5]  }
0x3d: {  	_ =	shalt  }
0x3e: {  	_ =	shalt  }
0x3f: {  	_ =	shalt  }
0x40: {  	_ =	shalt  }
0x41: {  	_ =	shalt  }
0x42: {  	_ =	shalt  }
0x43: {  	_ =	shalt  }
0x44: {  	_ =	shalt  }
0x45: {  	_ =	shalt  }
0x46: {  	_ =	shalt  }
0x47: {  	_ =	shalt  }
0x48: {  	_ =	shalt  }
0x49: {  	_ =	shalt  }
0x4a: {  	_ =	shalt  }
0x4b: {  	_ =	shalt  }
0x4c: {  	_ =	shalt  }
0x4d: {  	_ =	shalt  }
0x4e: {  	_ =	shalt  }
0x4f: {  	_ =	shalt  }
0x50: {  	_ =	shalt  }
0x51: {  	_ =	shalt  }
0x52: {  	_ =	shalt  }
0x53: {  	_ =	shalt  }
0x54: {  	_ =	shalt  }
0x55: {  	_ =	shalt  }
0x56: {  	_ =	shalt  }
0x57: {  	_ =	shalt  }
0x58: {  	_ =	shalt  }
0x59: {  	_ =	shalt  }
0x5a: {  	_ =	shalt  }
0x5b: {  	_ =	shalt  }
0x5c: {  	_ =	shalt  }
0x5d: {  	_ =	shalt  }
0x5e: {  	_ =	shalt  }
0x5f: {  	_ =	shalt  }
0x60: {  	_ =	shalt  }
0x61: {  	_ =	shalt  }
0x62: {  	_ =	shalt  }
0x63: {  	_ =	shalt  }
0x64: {  	_ =	shalt  }
0x65: {  	_ =	shalt  }
0x66: {  	_ =	shalt  }
0x67: {  	_ =	shalt  }
0x68: {  	_ =	shalt  }
0x69: {  	_ =	shalt  }
0x6a: {  	_ =	shalt  }
0x6b: {  	_ =	shalt  }
0x6c: {  	_ =	shalt  }
0x6d: {  	_ =	shalt  }
0x6e: {  	_ =	shalt  }
0x6f: {  	_ =	shalt  }
0x70: {  	_ =	shalt  }
0x71: {  	_ =	shalt  }
0x72: {  	_ =	shalt  }
0x73: {  	_ =	shalt  }
0x74: {  	_ =	shalt  }
0x75: {  	_ =	shalt  }
0x76: {  	_ =	shalt  }
0x77: {  	_ =	shalt  }
0x78: {  	_ =	shalt  }
0x79: {  	_ =	shalt  }
0x7a: {  	_ =	shalt  }
0x7b: {  	_ =	shalt  }
0x7c: {  	_ =	shalt  }
0x7d: {  	_ =	shalt  }
0x7e: {  	_ =	shalt  }
0x7f: {  	_ =	shalt  }
0x80: {  	_ =	shalt  }
0x81: {  	_ =	shalt  }
0x82: {  	_ =	shalt  }
0x83: {  	_ =	shalt  }
0x84: {  	_ =	shalt  }
0x85: {  	_ =	shalt  }
0x86: {  	_ =	shalt  }
0x87: {  	_ =	shalt  }
.Lfunc_end0:
.L_simem_size_0:
called_computation_lowered:
.L_overlay_start_0:
0x88: {  	s2 =	sld [smem:$0x3FD9]  }
0x89: {  	s3 =	sld [smem:$0x3FFE];
	_ =	sdelay $0x1  }
0x8a: {  	s1 =	srdreg.scid  }
0x8b: {  	s0 =	sand.u32 $0x1, s1  }
0x8c: {  	s17 =	sshll.u32 s0, $0xA;
	s2 =	sadd.s32 s3, s2  }
0x8d: {  	s2 =	sadd.s32 s2, s17  }
0x8e: {  	[smem:$0x3FC1] =	sst s2  }
0x8f: {  	_ = 	snop  }
0x90: {  	s2 =	sld [smem:$0x3FC7];
	(tm) =	ssettm $0x1  }
0x91: {  	s18 =	sld [smem:$0x3FFB];
	_ =	sdelay $0x3  }
0x92: {  	_ =	strace s18  }
0x93: {  	s3 =	sld [smem:$0x3FFC];
	_ =	sdelay $0x3  }
0x94: {  	_ =	strace s3  }
0x95: {  	s3 =	sld [smem:$0x3FFD];
	_ =	sdelay $0x3  }
0x96: {  	_ =	strace s3  }
0x97: {  	_ =	strace $0x8FFFFFFF  }
0x98: {  	s19 =	sld [smem:$0x3FDB];
	_ =	sdelay $0x1  }
0x99: {  	s4 =	simm.s32 $_scs_section_size  }
0x9a: {  	s5 =	simm.s32 $_size__tile_overlayer_lowered;
	s6 =	simm.s32 $_tile_overlayer_lowered  }
0x9b: {  	s22 =	simm.s32 $0x1BFF;
	s21 =	sshll.u32 s6, $0x1;
	s3 =	sadd.s32 s4, s19  }
0x9c: {  	s7 =	simm.s32 $0x0;
	s20 =	sshll.u32 s5, $0x1;
	s5 =	sadd.s32 s21, s3  }
0x9d: {  	[timem:s7], [sflag:s22] =	dma.local [hbm:s5], s20  }
0x9e: {  	_ =	swait.ge [sflag:s22], s20  }
0x9f: {  	s4 =	ssub.s32 $0x0, s20;
	[sflag:s22] =	ssyncset.done $0x0  }
0xa0: {  	[sflag:s22] =	ssyncadd.s32 s4;
	_ =	sdelay $0x1  }
0xa1: {  	s23 =	simm.s32 $0x1B8B  }
0xa2: {  	_ =	swait.ge [sflag:s23], $0x1  }
0xa3: {  	[sflag:s23] =	ssyncset.done $0x0  }
0xa4: {  	s25 =	simm.s32 $0x1B8E;
	s24 =	sld [smem:$0x3FFE];
	[sflag:s23] =	ssyncadd.s32 $0xFFFFFFFF  }
0xa5: {  	s26 =	simm.s32 $execute0_lowered;
	[smem:$0x3FD2] =	sst s25  }
0xa6: {  	s5 =	sshll.u32 s26, $0x1;
	_ =	strace $0x80000046;
	[dreg:$0x1] =	wrdreg $0xFFFFFFFF  }
0xa7: {  	s28 =	simm.s32 $_size_execute0_lowered;
	s3 =	sadd.s32 s3, s5;
	[dreg:$0x0] =	wrdreg $0x0  }
0xa8: {  	s5 =	sshll.u32 s28, $0x1;
	[dreg:$0x2] =	wrdreg s3  }
0xa9: {  	[dreg:$0x3] =	wrdreg s5  }
0xaa: {  	[dreg:$0x4] =	wrdreg $0xC0  }
0xab: {  	_ =	task [dreg:s7], $0x5FFFF  }
0xac: {  	[dreg:$0x1] =	wrdreg $0xFFFFFFFF  }
0xad: {  	[dreg:$0x0] =	wrdreg $0x60  }
0xae: {  	[dreg:$0x2] =	wrdreg s24  }
0xaf: {  	[dreg:$0x3] =	wrdreg s2  }
0xb0: {  	[dreg:$0x4] =	wrdreg $0x9  }
0xb1: {  	_ =	task.clear_ibuf [dreg:s7], $0x5FFFF;
	_ =	strace $0x90000046  }
0xb2: {  	s29 =	simm.s32 $0x9;
	_ =	strace $0x80000048  }
0xb3: {  	_ =	swait.ge [sflag:s29], $0x1  }
0xb4: {  	[sflag:s29] =	ssyncadd.s32 $0xFFFFFFFF  }
0xb5: {  	_ =	strace $0x90000048  }
0xb6: {  	_ =	sfence  }
0xb7: {  	s30 =	sld [smem:$0x0];
	_ =	sdelay $0x2  }
0xb8: {  	s31 =	sshll.u32 s1, $0xD;
	s1 =	sshrl.u32 s1, $0x2  }
0xb9: {  	s3 =	sand.u32 $0x4000, s31;
	s1 =	sadd.s32 s1, s30  }
0xba: {  	s0 =	sor.u32 s3, s0;
	s1 =	sshll.u32 s1, $0x11  }
0xbb: {  	s0 =	sor.u32 s1, s0  }
0xbc: {  	s0 =	sadd.s32 $0x8F2B, s0  }
0xbd: {  	[sflag:s0] =	ssyncadd.remote.s32 $0x1  }
0xbe: {  	_ =	sfence.sel $0xFFFF  }
0xbf: {  	[dreg:$0x0] =	wrdreg $0xFFFFFFFF;
	(pc) =	sbr.abs _section_cstart, $3  }
0xc0: {  	[dreg:$0x1] =	wrdreg $0xFFFFFFFF  }
0xc1: {  	_ =	task.clear_ibuf [dreg:s7], $0x2FFFF;
	_ =	strace $0x9FFFFFFF  }
0xc2: {  	(tm) =	ssettm $0x7FFFFFFF  }
0xc3: {  	_ =	shalt  }
tec
execute0_lowered:
.L_overlay_start_1:
0x0: {  	(tag) =	ssettag $0x1  }
0x1: {  	s4 =	rddreg [dreg:$0x0];
	s1 =	srdreg.scid  }
0x2: {  	s0 =	stileid.u32;
	s2 =	rddreg [dreg:$0x1]  }
0x3: {  	s8 =	simm.s32 $0x1;
	s5 =	sand.u32 $0x1, s1;
	s3 =	sshll.u32 s0, $0x1  }
0x4: {  	s9 =	simm.s32 $0x2;
	s10 =	simm.s32 $0x3B80;
	s6 =	sor.u32 s5, s3  }
0x5: {  	s11 =	simm.s32 $0x3;
	s12 =	simm.s32 $0x0;
	s6 =	smul.u32 $0x271, s6  }
0x6: {  	s1 =	rddreg [dreg:$0x2];
	s3 =	simm.s32 $0x0;
	s5 =	ssub.s32 $0x2, s5  }
0x7: {  	[smem:$0x7FF] =	sst s3;
	s7 =	sshrl.u32 s5, $0x1;
	s6 =	sadd.s32 s6, s4  }
0x8: {  	_ =	strace $0x80000047;
	s7 =	ssub.s32 s5, s7;
	s4 =	sadd.s32 $0xC00, s6  }
0x9: {  	s5 =	sadd.s32 $0xAA00, s6;
	s6 =	smax.u32 s7, $0x1;
	s7 =	simm.s32 $0x2780  }
.LBB2_1:
0xa: {  	[tilespmem:s3], [sflag:$0x1] =	stream.linear.gather [hbm4b:s2+s3], $0x2780, $0x38;
	[tilespmem:$0x4F80] =	vst v63  }
0xb: {  	_ = 	snop  }
0xc: {  	[tilespmem:s7], [sflag:$0x2] =	stream.linear.gather [hbm4b:s4+s3], $0x1388, $0x38;
	[tilespmem:$0x4F80] =	vst v63  }
0xd: {  	_ =	swait.ge [sflag:s8], $0x2780  }
0xe: {  	[sflag:s8] =	ssyncset.done $0x0  }
0xf: {  	[sflag:s8] =	ssyncadd.s32 $0xFFFFD880  }
0x10: {  	_ =	swait.ge [sflag:s9], $0x1388  }
0x11: {  	[sflag:s9] =	ssyncset.done $0x0  }
0x12: {  	s13 =	simm.s32 $0x0;
	[sflag:s9] =	ssyncadd.s32 $0xFFFFEC78  }
0x13: {  	v0 =	vld [tilespmem:s13+$0x2780];
	_ =	sdelay $0x5  }
0x14: {  	v1 =	vld [tilespmem:s13+$0x2790];
	_ =	sdelay $0x1  }
0x15: {  	v0 =	vld.idx.msk [tilespmem:v0+s3+$0x0], $0xffff;
	_ =	sdelay $0x4  }
0x16: {  	[tilespmem:s13+$0x3B80] =	vst v0;
	v0 =	vld [tilespmem:s13+$0x27A0]  }
0x17: {  	v1 =	vld.idx.msk [tilespmem:v1+s3+$0x0], $0xffff;
	_ =	sdelay $0x4  }
0x18: {  	[tilespmem:s13+$0x3B90] =	vst v1;
	v1 =	vld [tilespmem:s13+$0x27B0];
	_ =	sdelay $0x1  }
0x19: {  	v0 =	vld.idx.msk [tilespmem:v0+s3+$0x0], $0xffff;
	_ =	sdelay $0x4  }
0x1a: {  	[tilespmem:s13+$0x3BA0] =	vst v0;
	v0 =	vld [tilespmem:s13+$0x27C0]  }
0x1b: {  	v1 =	vld.idx.msk [tilespmem:v1+s3+$0x0], $0xffff;
	_ =	sdelay $0x4  }
0x1c: {  	[tilespmem:s13+$0x3BB0] =	vst v1;
	v1 =	vld [tilespmem:s13+$0x27D0];
	_ =	sdelay $0x1  }
0x1d: {  	v0 =	vld.idx.msk [tilespmem:v0+s3+$0x0], $0xffff;
	_ =	sdelay $0x4  }
0x1e: {  	v2 =	vld [tilespmem:s13+$0x27E0];
	[tilespmem:s13+$0x3BC0] =	vst v0  }
0x1f: {  	v0 =	vld.idx.msk [tilespmem:v1+s3+$0x0], $0xffff;
	_ =	sdelay $0x4  }
0x20: {  	[tilespmem:s13+$0x3BD0] =	vst v0;
	v0 =	vld [tilespmem:s13+$0x27F0];
	_ =	sdelay $0x1  }
0x21: {  	v1 =	vld.idx.msk [tilespmem:v2+s3+$0x0], $0xffff;
	_ =	sdelay $0x3  }
0x22: {  	s15 =	simm.s32 $0x80;
	s14 =	simm.s32 $0x400  }
.LBB2_2:
0x23: {  	p0 =	sne.s32 s14, $0x4C00;
	v2 =	vld [tilespmem:s15+$0x2780];
	[tilespmem:s13+$0x3BE0] =	vst v1  }
0x24: {  	v0 =	vld.idx.msk [tilespmem:v0+s3+$0x0], $0xffff;
	_ =	sdelay $0x5  }
0x25: {  	v1 =	vld [tilespmem:s15+$0x2790];
	[tilespmem:s13+$0x3BF0] =	vst v0;
	s13 =	smov.u32 s15  }
0x26: {  	v0 =	vld.idx.msk [tilespmem:v2+s3+$0x0], $0xffff;
	_ =	sdelay $0x5  }
0x27: {  	[tilespmem:s13+$0x3B80] =	vst v0;
	v0 =	vld [tilespmem:s13+$0x27A0]  }
0x28: {  	v1 =	vld.idx.msk [tilespmem:v1+s3+$0x0], $0xffff;
	_ =	sdelay $0x5  }
0x29: {  	[tilespmem:s13+$0x3B90] =	vst v1;
	v1 =	vld [tilespmem:s13+$0x27B0]  }
0x2a: {  	v0 =	vld.idx.msk [tilespmem:v0+s3+$0x0], $0xffff;
	_ =	sdelay $0x5  }
0x2b: {  	[tilespmem:s13+$0x3BA0] =	vst v0;
	v0 =	vld [tilespmem:s13+$0x27C0]  }
0x2c: {  	v1 =	vld.idx.msk [tilespmem:v1+s3+$0x0], $0xffff;
	_ =	sdelay $0x5  }
0x2d: {  	[tilespmem:s13+$0x3BB0] =	vst v1;
	v1 =	vld [tilespmem:s13+$0x27D0]  }
0x2e: {  	v0 =	vld.idx.msk [tilespmem:v0+s3+$0x0], $0xffff;
	_ =	sdelay $0x5  }
0x2f: {  	[tilespmem:s13+$0x3BC0] =	vst v0;
	v2 =	vld [tilespmem:s13+$0x27E0]  }
0x30: {  	v0 =	vld.idx.msk [tilespmem:v1+s3+$0x0], $0xffff;
	_ =	sdelay $0x5  }
0x31: {  	[tilespmem:s13+$0x3BD0] =	vst v0;
	v0 =	vld [tilespmem:s13+$0x27F0]  }
0x32: {  	v1 =	vld.idx.msk [tilespmem:v2+s3+$0x0], $0xffff  }
.Ltmp0:
0x33: {  	(pc) =	sbr.rel @p0 .LBB2_2-.Ltmp0, $2  }
0x34: {  	_ =	sdelay $0x2  }
0x35: {  	s15 =	sshra.s32 s14, $0x2;
	s14 =	sadd.s32 $0x200, s14  }
0x36: {  	_ =	sdelay $0x1  }
0x37: {  	v2 =	vld [tilespmem:s15+$0x2780]  }
0x38: {  	[tilespmem:s13+$0x3BE0] =	vst v1  }
0x39: {  	v0 =	vld.idx.msk [tilespmem:v0+s3+$0x0], $0xffff;
	_ =	sdelay $0x3  }
0x3a: {  	v1 =	vld [tilespmem:s15+$0x2790]  }
0x3b: {  	[tilespmem:s13+$0x3BF0] =	vst v0  }
0x3c: {  	v0 =	vld.idx.msk [tilespmem:v2+s3+$0x0], $0xffff;
	_ =	sdelay $0x3  }
0x3d: {  	v58 =	vld [tilespmem:s15+$0x27A0]  }
0x3e: {  	[tilespmem:s15+$0x3B80] =	vst v0  }
0x3f: {  	v1 =	vld.idx.msk [tilespmem:v1+s3+$0x0], $0xffff;
	_ =	sdelay $0x3  }
0x40: {  	v59 =	vld [tilespmem:s15+$0x27B0]  }
0x41: {  	[tilespmem:s15+$0x3B90] =	vst v1  }
0x42: {  	v0 =	vld.idx.msk [tilespmem:v58+s3+$0x0], $0xffff;
	_ =	sdelay $0x3  }
0x43: {  	v60 =	vld [tilespmem:s15+$0x27C0]  }
0x44: {  	[tilespmem:s15+$0x3BA0] =	vst v0  }
0x45: {  	v1 =	vld.idx.msk [tilespmem:v59+s3+$0x0], $0xffff;
	_ =	sdelay $0x3  }
0x46: {  	v61 =	vld [tilespmem:s15+$0x27D0]  }
0x47: {  	[tilespmem:s15+$0x3BB0] =	vst v1  }
0x48: {  	v0 =	vld.idx.msk [tilespmem:v60+s3+$0x0], $0xffff;
	_ =	sdelay $0x3  }
0x49: {  	v62 =	vld [tilespmem:s15+$0x27E0]  }
0x4a: {  	[tilespmem:s15+$0x3BC0] =	vst v0  }
0x4b: {  	v1 =	vld.idx.msk [tilespmem:v61+s3+$0x0], $0xffff;
	_ =	sdelay $0x3  }
0x4c: {  	v63 =	vld [tilespmem:s15+$0x27F0]  }
0x4d: {  	[tilespmem:s15+$0x3BD0] =	vst v1  }
0x4e: {  	v0 =	vld.idx.msk [tilespmem:v62+s3+$0x0], $0xffff;
	_ =	sdelay $0x4  }
0x4f: {  	[tilespmem:s15+$0x3BE0] =	vst v0  }
0x50: {  	v0 =	vld.idx.msk [tilespmem:v63+s3+$0x0], $0xffff;
	_ =	sdelay $0x4  }
0x51: {  	[tilespmem:s15+$0x3BF0] =	vst v0  }
0x52: {  	v0 =	vld [tilespmem:$0x3B00];
	_ =	sdelay $0x4  }
0x53: {  	vm0 =	vgt.s32 v0, $0x0  }
0x54: {  	v0 =	vnsel vm0, $0x0, v0  }
0x55: {  	v0 =	vmin.u32 v0, $0x270F;
	_ =	sdelay $0x4  }
0x56: {  	v0 =	vld.idx.msk [tilespmem:v0+s3+$0x0], $0xffff;
	_ =	sdelay $0x2  }
0x57: {  	s12 =	sadd.s32 $0x1, s12  }
0x58: {  	p0 =	sne.s32 s12, s6  }
.Ltmp1:
0x59: {  	[tilespmem:$0x4F00] =	vst v0;
	(pc) =	sbr.rel @p0 .LBB2_1-.Ltmp1, $4  }
0x5a: {  	[hbm4b:s5+s3] =	stream.linear.scatter [tilespmem:s10], [sflag:$0x3], $0x1388, $0x38;
	[tilespmem:$0x4F80] =	vst v63  }
0x5b: {  	_ =	swait.ge [sflag:s11], $0x1388  }
0x5c: {  	[sflag:s11] =	ssyncset.done $0x0  }
0x5d: {  	[sflag:s11] =	ssyncadd.s32 $0xFFFFEC78  }
0x5e: {  	_ =	sfence.sel $0x180000  }
0x5f: {  	[bflag:$0x0] =	sbarrier.arrive $0xFFFF  }
0x60: {  	p0 =	sne.s32 s0, $0x0;
	_ =	strace $0x90000047  }
0x61: {  	s0 =	sadd.s32 @!p0 $0x100000, s1;
	[bflag:$0x2] =	sbarrier.arrive $0xFFFF  }
0x62: {  	[sflag:s0] =	ssyncadd.tile.s32 @!p0 $0x1;
	_ =	shalt  }
.Lfunc_end2:
_tile_overlayer_lowered:
.L_overlay_start_2:
0x63: {  	(tag) =	ssettag $0x2  }
0x64: {  	s0 =	rddreg [dreg:$0x0];
	s2 =	stileid.u32  }
0x65: {  	s1 =	rddreg [dreg:$0x1];
	p0 =	sne.s32 s2, $0x0  }
0x66: {  	s3 =	rddreg [dreg:$0x2];
	[bflag:$0x3] =	sbarrier.arrive $0xFFFF;
	s2 =	simm.s32 @!p0 $0x1C03  }
0x67: {  	[timem:s3], [sflag:s2] =	dma.local @!p0 [hbm:s0], s1  }
0x68: {  	s0 =	simm.s32 @!p0 $0x3  }
0x69: {  	_ =	swait.ge @!p0 [sflag:s0], s1  }
0x6a: {  	s1 =	ssub.s32 @!p0 $0x0, s1;
	[sflag:s0] =	ssyncset.done @!p0 $0x0  }
0x6b: {  	[sflag:s0] =	ssyncadd.s32 @!p0 s1  }
0x6c: {  	[bflag:$0x3] =	sbarrier.arrive $0xFFFF  }
0x6d: {  	_ =	shalt  }

</sc_bundles>
